<compile_context>
chip_gen: v7x
topology: tpu7x:2x2x1
jax: 0.10.2.dev20260603
libtpu: 0.0.44.dev20260713+nightly
codegen_flags: <defaults>
</compile_context>

<pallas_src>
import jax
import jax.numpy as jnp
from jax.experimental import pallas as pl
from jax.experimental.pallas import tpu as pltpu

_HALF = 1024
_BR = 1024
_WOUT = 1152


def _mwn_kernel(x_ref, w_ref, o_ref):
    xb = x_ref[...]
    q = xb[:, :_HALF]
    y = xb[:, _HALF:]
    p = q * y
    z1 = 1.0 - jnp.sum(p, axis=1, keepdims=True)
    z2 = p * w_ref[...]
    m = jnp.maximum(jnp.max(z2, axis=1, keepdims=True), z1)
    e1 = jnp.exp(z1 - m)
    e2 = jnp.exp(z2 - m)
    r = 1.0 / (e1 + jnp.sum(e2, axis=1, keepdims=True))
    o_ref[:, :1] = e1 * r
    o_ref[:, 1:_HALF + 1] = e2 * r
    o_ref[:, _HALF + 1:] = jnp.zeros((o_ref.shape[0], _WOUT - _HALF - 1),
                                     jnp.float32)


def kernel(x, weights):
    n = x.shape[0]
    w2d = weights.reshape(1, _HALF)
    grid = (n // _BR,)
    out = pl.pallas_call(
        _mwn_kernel,
        grid=grid,
        in_specs=[
            pl.BlockSpec((_BR, 2 * _HALF), lambda i: (i, 0)),
            pl.BlockSpec((1, _HALF), lambda i: (0, 0)),
        ],
        out_specs=pl.BlockSpec((_BR, _WOUT), lambda i: (i, 0)),
        out_shape=jax.ShapeDtypeStruct((n, _WOUT), jnp.float32),
        compiler_params=pltpu.CompilerParams(
            dimension_semantics=("arbitrary",),
        ),
    )(x, w2d)
    return out[:, :_HALF + 1]

# --- scband reference (transcript-rebuilt; emitter-appended) ---
"""Pipeline reference for scband-max-weight-network-38981123178868 (READ-ONLY COPY).

The authoritative reference and input builder live on the scoring server;
editing this copy changes nothing except your own understanding.
"""

import jax, jax.numpy as jnp
import numpy as np

WEIGHT_SIZE = 1024
TEMPERATURE = 1.0

def setup_inputs(seed: int = 0) -> dict:
    key = jax.random.key(seed)
    k1, k2 = jax.random.split(key)
    x = jax.random.normal(k1, (8192, 2048), dtype=jnp.float32)
    weights = jax.random.normal(k2, (WEIGHT_SIZE,), dtype=jnp.float32) * 0.1
    return {"x": x, "weights": weights}

def reference(x, weights):
    half = x.shape[1] // 2
    Q = x[:, :half]
    Y = x[:, half:]
    z1 = 1.0 - jnp.sum(Q * Y, axis=1, keepdims=True)
    z2 = Q * Y * weights
    z = jnp.concatenate([z1, z2], axis=1)
    # module is in training mode by default -> softmax branch
    A = jax.nn.softmax(z / TEMPERATURE, axis=-1)
    return A

if __name__ == "__main__":
    import jax
    _d = setup_inputs()
    print(jax.jit(kernel)(*tuple(_d.values())))

</pallas_src>

<mosaic_0001>
module attributes {stable_mosaic.version = 14 : i64} {
  func.func @_mwn_kernel(%arg0: i32, %arg1: memref<1024x2048xf32, #tpu.memory_space<vmem>>, %arg2: memref<1x1024xf32, #tpu.memory_space<vmem>>, %arg3: memref<1024x1152xf32, #tpu.memory_space<vmem>>) attributes {dimension_semantics = [#tpu.dimension_semantics<arbitrary>], iteration_bounds = array<i64: 8>, scalar_prefetch = 0 : i64, scratch_operands = 0 : i64, tpu.core_type = #tpu.core_type<tc>, window_params = [{transform_indices = @transform_0, window_bounds = array<i64: 1024, 2048>}, {pipeline_mode = #tpu.pipeline_mode<synchronous>, transform_indices = @transform_1, window_bounds = array<i64: 1, 1024>}, {transform_indices = @transform_2, window_bounds = array<i64: 1024, 1152>}]} {
    %get3A = arith.constant 0 : index
    %get3A_0 = arith.constant 0 : index
    %get3A_1 = vector.load %arg1[%get3A, %get3A_0] : memref<1024x2048xf32, #tpu.memory_space<vmem>>, vector<1024x2048xf32>
    %slice3A = vector.extract_strided_slice %get3A_1 {offsets = [0, 0], sizes = [1024, 1024], strides = [1, 1]} : vector<1024x2048xf32> to vector<1024x1024xf32>
    %slice3A_2 = vector.extract_strided_slice %get3A_1 {offsets = [0, 1024], sizes = [1024, 1024], strides = [1, 1]} : vector<1024x2048xf32> to vector<1024x1024xf32>
    %mul3A = arith.mulf %slice3A, %slice3A_2 : vector<1024x1024xf32>
    %reduce_sum3A = arith.constant dense<0.000000e+00> : vector<1024xf32>
    %reduce_sum3A_3 = vector.multi_reduction <add>, %mul3A, %reduce_sum3A [1] : vector<1024x1024xf32> to vector<1024xf32>
    %broadcast_in_dim3A = vector.shape_cast %reduce_sum3A_3 : vector<1024xf32> to vector<1024x1xf32>
    %sub3A = arith.constant 1.000000e+00 : f32
    %sub3A_4 = vector.broadcast %sub3A : f32 to vector<1024x1xf32>
    %sub3A_5 = arith.subf %sub3A_4, %broadcast_in_dim3A : vector<1024x1xf32>
    %get3A_6 = arith.constant 0 : index
    %get3A_7 = arith.constant 0 : index
    %get3A_8 = vector.load %arg2[%get3A_6, %get3A_7] : memref<1x1024xf32, #tpu.memory_space<vmem>>, vector<1x1024xf32>
    %mul3A_9 = vector.broadcast %get3A_8 : vector<1x1024xf32> to vector<1024x1024xf32>
    %mul3A_10 = arith.mulf %mul3A, %mul3A_9 : vector<1024x1024xf32>
    %reduce_max3A = arith.constant dense<0xFF800000> : vector<1024xf32>
    %reduce_max3A_11 = vector.multi_reduction <maximumf>, %mul3A_10, %reduce_max3A [1] : vector<1024x1024xf32> to vector<1024xf32>
    %broadcast_in_dim3A_12 = vector.shape_cast %reduce_max3A_11 : vector<1024xf32> to vector<1024x1xf32>
    %max3A = arith.maximumf %broadcast_in_dim3A_12, %sub3A_5 : vector<1024x1xf32>
    %sub3A_13 = arith.subf %sub3A_5, %max3A : vector<1024x1xf32>
    %exp3A = math.exp %sub3A_13 : vector<1024x1xf32>
    %sub3A_14 = vector.broadcast %max3A : vector<1024x1xf32> to vector<1024x1024xf32>
    %sub3A_15 = arith.subf %mul3A_10, %sub3A_14 : vector<1024x1024xf32>
    %exp3A_16 = math.exp %sub3A_15 : vector<1024x1024xf32>
    %reduce_sum3A_17 = arith.constant dense<0.000000e+00> : vector<1024xf32>
    %reduce_sum3A_18 = vector.multi_reduction <add>, %exp3A_16, %reduce_sum3A_17 [1] : vector<1024x1024xf32> to vector<1024xf32>
    %broadcast_in_dim3A_19 = vector.shape_cast %reduce_sum3A_18 : vector<1024xf32> to vector<1024x1xf32>
    %add3A = arith.addf %exp3A, %broadcast_in_dim3A_19 : vector<1024x1xf32>
    %div3A = arith.constant 1.000000e+00 : f32
    %div3A_20 = vector.broadcast %div3A : f32 to vector<1024x1xf32>
    %div3A_21 = arith.divf %div3A_20, %add3A : vector<1024x1xf32>
    %mul3A_22 = arith.mulf %exp3A, %div3A_21 : vector<1024x1xf32>
    %swap3A = arith.constant 0 : index
    %swap3A_23 = arith.constant 0 : index
    %swap3A_24 = vector.load %arg3[%swap3A, %swap3A_23] : memref<1024x1152xf32, #tpu.memory_space<vmem>>, vector<1024x1xf32>
    tpu.vector_store %arg3[%swap3A, %swap3A_23], %mul3A_22 {strides = array<i32>} : memref<1024x1152xf32, #tpu.memory_space<vmem>>, vector<1024x1xf32>,
    %mul3A_25 = vector.broadcast %div3A_21 : vector<1024x1xf32> to vector<1024x1024xf32>
    %mul3A_26 = arith.mulf %exp3A_16, %mul3A_25 : vector<1024x1024xf32>
    %swap3A_27 = arith.constant 0 : index
    %swap3A_28 = arith.constant 1 : index
    %swap3A_29 = vector.load %arg3[%swap3A_27, %swap3A_28] : memref<1024x1152xf32, #tpu.memory_space<vmem>>, vector<1024x1024xf32>
    tpu.vector_store %arg3[%swap3A_27, %swap3A_28], %mul3A_26 {strides = array<i32>} : memref<1024x1152xf32, #tpu.memory_space<vmem>>, vector<1024x1024xf32>,
    %broadcast_in_dim3A_30 = arith.constant 0.000000e+00 : f32
    %broadcast_in_dim3A_31 = vector.broadcast %broadcast_in_dim3A_30 : f32 to vector<1024x127xf32>
    %swap3A_32 = arith.constant 0 : index
    %swap3A_33 = arith.constant 1025 : index
    %swap3A_34 = vector.load %arg3[%swap3A_32, %swap3A_33] : memref<1024x1152xf32, #tpu.memory_space<vmem>>, vector<1024x127xf32>
    tpu.vector_store %arg3[%swap3A_32, %swap3A_33], %broadcast_in_dim3A_31 {strides = array<i32>} : memref<1024x1152xf32, #tpu.memory_space<vmem>>, vector<1024x127xf32>,
    return
  }
  func.func @transform_0(%arg0: i32) -> (i32, i32) {
    %c0_i32 = arith.constant 0 : i32
    %c0_i32_0 = arith.constant 0 : i32
    return %arg0, %c0_i32 : i32, i32
  }
  func.func @transform_1(%arg0: i32) -> (i32, i32) {
    %c0_i32 = arith.constant 0 : i32
    %c0_i32_0 = arith.constant 0 : i32
    %c0_i32_1 = arith.constant 0 : i32
    return %c0_i32, %c0_i32_0 : i32, i32
  }
  func.func @transform_2(%arg0: i32) -> (i32, i32) {
    %c0_i32 = arith.constant 0 : i32
    %c0_i32_0 = arith.constant 0 : i32
    return %arg0, %c0_i32 : i32, i32
  }
}

</mosaic_0001>

<sc_bundles>
// kernel: sparse-core-data-format-call.cloned.1.call-start
scs
called_computation_lowered:
.L_overlay_start_0:
0x0: {  	s2 =	sld [smem:$0x3FD9]  }
0x1: {  	s3 =	sld [smem:$0x3FFE];
	_ =	sdelay $0x1  }
0x2: {  	s1 =	srdreg.scid  }
0x3: {  	s0 =	sand.u32 $0x1, s1  }
0x4: {  	s18 =	sshll.u32 s0, $0xA;
	s2 =	sadd.s32 s3, s2  }
0x5: {  	s2 =	sadd.s32 s2, s18  }
0x6: {  	[smem:$0x3FC6] =	sst s2  }
0x7: {  	_ = 	snop  }
0x8: {  	s2 =	sld [smem:$0x3FD0];
	(tm) =	ssettm $0x1  }
0x9: {  	s19 =	sld [smem:$0x3FFB];
	_ =	sdelay $0x3  }
0xa: {  	_ =	strace s19  }
0xb: {  	s3 =	sld [smem:$0x3FFC];
	_ =	sdelay $0x3  }
0xc: {  	_ =	strace s3  }
0xd: {  	s3 =	sld [smem:$0x3FFD];
	_ =	sdelay $0x3  }
0xe: {  	_ =	strace s3  }
0xf: {  	_ =	strace $0x8FFFFFFF  }
0x10: {  	s20 =	sld [smem:$0x3FDB];
	_ =	sdelay $0x1  }
0x11: {  	s4 =	simm.s32 $_scs_section_size  }
0x12: {  	s5 =	simm.s32 $_size__tile_overlayer_lowered;
	s6 =	simm.s32 $_tile_overlayer_lowered  }
0x13: {  	s23 =	simm.s32 $0x1BFF;
	s22 =	sshll.u32 s6, $0x1;
	s3 =	sadd.s32 s4, s20  }
0x14: {  	s7 =	simm.s32 $0x0;
	s21 =	sshll.u32 s5, $0x1;
	s5 =	sadd.s32 s22, s3  }
0x15: {  	[timem:s7], [sflag:s23] =	dma.local [hbm:s5], s21  }
0x16: {  	_ =	swait.ge [sflag:s23], s21  }
0x17: {  	s4 =	ssub.s32 $0x0, s21;
	[sflag:s23] =	ssyncset.done $0x0  }
0x18: {  	[sflag:s23] =	ssyncadd.s32 s4;
	_ =	sdelay $0x1  }
0x19: {  	s24 =	simm.s32 $0x1B8B  }
0x1a: {  	_ =	swait.ge [sflag:s24], $0x1  }
0x1b: {  	[sflag:s24] =	ssyncset.done $0x0  }
0x1c: {  	s26 =	simm.s32 $0x1B8E;
	s25 =	sld [smem:$0x3FFE];
	[sflag:s24] =	ssyncadd.s32 $0xFFFFFFFF  }
0x1d: {  	s27 =	simm.s32 $execute0_lowered;
	[smem:$0x3FD2] =	sst s26  }
0x1e: {  	s5 =	sshll.u32 s27, $0x1;
	_ =	strace $0x80000046;
	[dreg:$0x1] =	wrdreg $0xFFFFFFFF  }
0x1f: {  	s28 =	simm.s32 $_size_execute0_lowered;
	s3 =	sadd.s32 s3, s5;
	[dreg:$0x0] =	wrdreg $0x0  }
0x20: {  	s5 =	sshll.u32 s28, $0x1;
	[dreg:$0x2] =	wrdreg s3  }
0x21: {  	[dreg:$0x3] =	wrdreg s5  }
0x22: {  	[dreg:$0x4] =	wrdreg $0xC0  }
0x23: {  	_ =	task [dreg:s7], $0x5FFFF  }
0x24: {  	[dreg:$0x1] =	wrdreg $0xFFFFFFFF  }
0x25: {  	[dreg:$0x0] =	wrdreg $0x60  }
0x26: {  	[dreg:$0x2] =	wrdreg s25  }
0x27: {  	[dreg:$0x3] =	wrdreg s2  }
0x28: {  	[dreg:$0x4] =	wrdreg $0x9  }
0x29: {  	_ =	task.clear_ibuf [dreg:s7], $0x5FFFF;
	_ =	strace $0x90000046  }
0x2a: {  	s29 =	simm.s32 $0x9;
	_ =	strace $0x80000048  }
0x2b: {  	_ =	swait.ge [sflag:s29], $0x1  }
0x2c: {  	[sflag:s29] =	ssyncadd.s32 $0xFFFFFFFF  }
0x2d: {  	_ =	strace $0x90000048  }
0x2e: {  	_ =	sfence  }
0x2f: {  	s30 =	sld [smem:$0x0];
	_ =	sdelay $0x2  }
0x30: {  	s31 =	sshll.u32 s1, $0xD;
	s1 =	sshrl.u32 s1, $0x2  }
0x31: {  	s3 =	sand.u32 $0x4000, s31;
	s1 =	sadd.s32 s1, s30  }
0x32: {  	s0 =	sor.u32 s3, s0;
	s1 =	sshll.u32 s1, $0x11  }
0x33: {  	s0 =	sor.u32 s1, s0  }
0x34: {  	s0 =	sadd.s32 $0x8F2B, s0  }
0x35: {  	[sflag:s0] =	ssyncadd.remote.s32 $0x1  }
0x36: {  	_ =	sfence.sel $0xFFFF  }
0x37: {  	[dreg:$0x0] =	wrdreg $0xFFFFFFFF;
	(pc) =	sbr.abs _section_cstart, $3  }
0x38: {  	[dreg:$0x1] =	wrdreg $0xFFFFFFFF  }
0x39: {  	_ =	task.clear_ibuf [dreg:s7], $0x2FFFF;
	_ =	strace $0x9FFFFFFF  }
0x3a: {  	(tm) =	ssettm $0x7FFFFFFF  }
0x3b: {  	_ =	shalt  }
tec
execute0_lowered:
.L_overlay_start_1:
0x0: {  	(tag) =	ssettag $0x1  }
0x1: {  	s0 =	srdreg.scid  }
0x2: {  	s1 =	sshll.u32 s0, $0x4  }
0x3: {  	s6 =	rddreg [dreg:$0x0];
	s0 =	stileid.u32;
	s1 =	sand.u32 $0x10, s1  }
0x4: {  	s3 =	rddreg [dreg:$0x1];
	s1 =	sor.u32 s0, s1  }
0x5: {  	s5 =	simm.s32 $0x1;
	s31 =	simm.s32 $0x2;
	s2 =	sshll.u32 s1, $0x7  }
0x6: {  	s15 =	simm.s32 $0x0;
	s8 =	simm.s32 $0x10000;
	s4 =	ssub.s32 $0x2000, s2  }
0x7: {  	s14 =	simm.s32 $0x0;
	s9 =	simm.s32 $0x0;
	s30 =	sand.u32 $0xF80, s4  }
0x8: {  	s10 =	simm.s32 $0x0;
	s11 =	simm.s32 $0x0;
	p0 =	sne.s32 s30, $0x0  }
.Ltmp0:
0x9: {  	s7 =	sshrl.u32 s4, $0xC;
	s5 =	simm.s32 @!p0 $0x0;
	(pc) =	sbr.rel .LBB1_1-.Ltmp0, $4  }
0xa: {  	s13 =	simm.s32 $0x0;
	s1 =	rddreg [dreg:$0x2];
	s5 =	sadd.s32 s5, s7  }
0xb: {  	_ =	strace $0x80000047;
	s4 =	simm.s32 $0x1;
	s5 =	smul.u32 $0x9, s5  }
0xc: {  	s6 =	sadd.s32 $0x600, s6;
	s12 =	smov.u32 s2;
	[sflag:s4] =	ssyncpa.u1 $0x0  }
0xd: {  	[sflag:s31] =	ssyncpa.u1 $0x0;
	p0 =	por $0x0, $0x0;
	s7 =	sadd.s32 $0x1, s5  }
.LBB1_4:
0xe: {  	s20 =	sshra.s32 s20, $0x2  }
0xf: {  	s28 =	sand.u32 $0x78, s10;
	s21 =	sshll.u32 s9, $0xD;
	s22 =	sshll.u32 s10, $0x3  }
0x10: {  	s24 =	sshll.u32 s9, $0x7;
	p1 =	sgt.s32 s9, $0x388;
	s30 =	sshra.s32 s9, $0x1F  }
0x11: {  	s26 =	sshra.s32 s10, $0x1F;
	s19 =	sadd.s32 s20, s19;
	s21 =	sand.u32 $0xFFFF0000, s21  }
0x12: {  	v5 =	vld [tilespmem:s17+$0xFFFFFFD0];
	[tilespmem:s18+$0x2040 ss:$0x81] =	vst.msk $0xffff, v4;
	s23 =	sand.u32 $0xFFFFFC00, s22;
	s29 =	sand.u32 $0x380, s24;
	s22 =	sand.u32 $0x1C00, s22  }
0x13: {  	v58 =	vld [tilespmem:s17+$0xFFFFFFE0];
	[tilespmem:s18+$0x2850 ss:$0x81] =	vst.msk $0xffff, v3;
	s21 =	sadd.s32 s23, s21;
	s20 =	sor.u32 s28, s22;
	s22 =	smov.u32 s9  }
0x14: {  	v59 =	vld [tilespmem:s17+$0xFFFFFFF0];
	[tilespmem:s18+$0x3060 ss:$0x81] =	vst.msk $0xffff, v2;
	s24 =	sand.u32 s30, s9;
	s21 =	sshrl.u32 s21, $0xD;
	s22 =	simm.s32 @!p1 $0x388  }
0x15: {  	v60 =	vld [tilespmem:s17+$0x0];
	[tilespmem:s18+$0x0 ss:$0x81] =	vst.msk $0xffff, v1;
	p1 =	sgt.s32 s10, $0x1F80;
	s31 =	ssub.s32 s22, s24;
	s22 =	smov.u32 s10  }
0x16: {  	v61 =	vld [tilespmem:s17+$0x10];
	[tilespmem:s19+$0x3870 ss:$0x81] =	vst.msk $0xffff, v0;
	s25 =	smulhi.u32 $0x3F80FF, s21;
	s24 =	sand.u32 s26, s10;
	s22 =	simm.s32 @!p1 $0x1F80  }
0x17: {  	v62 =	vld [tilespmem:s17+$0x20];
	s20 =	sor.u32 s29, s20;
	[tilespmem:s19+$0x810 ss:$0x81] =	vst.msk $0xffff, v5;
	s27 =	sadd.s32 $0xFFFFFC78, s31;
	s22 =	ssub.s32 s22, s24  }
0x18: {  	v63 =	vld [tilespmem:s17+$0xFFFFFFC0];
	[tilespmem:s19+$0x1020 ss:$0x81] =	vst.msk $0xffff, v58;
	s18 =	ssub.s32 $0x408, s31;
	s28 =	smul.u32 $0x408, s25;
	s29 =	sadd.s32 $0xFFFFE080, s22  }
0x19: {  	[tilespmem:s19+$0x1830 ss:$0x81] =	vst.msk $0xffff, v59;
	p1 =	sgt.s32 s27, $0x7F;
	s22 =	ssub.s32 $0x2000, s22;
	p2 =	sgt.s32 s29, $0x7F  }
0x1a: {  	s30 =	sand.u32 $0x7, s10;
	[tilespmem:s19+$0x2040 ss:$0x81] =	vst.msk $0xffff, v60;
	s18 =	simm.s32 @p1 $0x0;
	s22 =	simm.s32 @p2 $0x0  }
0x1b: {  	s20 =	sshrl.u32 s20, $0x3;
	[tilespmem:s19+$0x2850 ss:$0x81] =	vst.msk $0xffff, v61;
	s17 =	ssub.s32 s21, s28;
	s18 =	smul.u32 s22, s18  }
0x1c: {  	[tilespmem:s19+$0x3060 ss:$0x81] =	vst.msk $0xffff, v62;
	s20 =	sadd.s32 s3, s20;
	s21 =	sshll.u32 s30, $0x12;
	s17 =	sshll.u32 s17, $0xA  }
0x1d: {  	[tilespmem:s19+$0x0 ss:$0x81] =	vst.msk $0xffff, v63;
	s31 =	sor.u32 $0x400, s21;
	s17 =	sadd.s32 s17, s20;
	s18 =	sand.u32 $0x3FFFFFFF, s18  }
0x1e: {  	[hbm4b:s17+s31] =	stream.strided.scatter [tilespmem:s16], [sflag:$0x2], s18, s8, s31, $0x20;
	[tilespmem:$0x10100] =	vst v63  }
.LBB1_5:
0x1f: {  	p1 =	slt.u32 s13, $0x2  }
0x20: {  	s17 =	smov.u32 s15;
	p2 =	sgt.s32 @!p1 s15, $0x388;
	s16 =	sshra.s32 @!p1 s15, $0x1F  }
0x21: {  	p3 =	sgt.s32 @!p1 s14, $0x1F80;
	s18 =	sshra.s32 @!p1 s14, $0x1F;
	p2 =	por !p2, p1  }
0x22: {  	s15 =	sand.u32 @!p1 s16, s15;
	p3 =	por !p3, p1;
	s16 =	smov.u32 s14  }
0x23: {  	s14 =	sand.u32 @!p1 s18, s14;
	s17 =	simm.s32 @p2 $0x388;
	s16 =	simm.s32 @p3 $0x1F80  }
0x24: {  	s15 =	ssub.s32 @!p1 s17, s15;
	s14 =	ssub.s32 @!p1 s16, s14  }
0x25: {  	s18 =	smov.u32 s12;
	s16 =	sadd.s32 @!p1 $0xFFFFFC78, s15;
	s17 =	sadd.s32 @!p1 $0xFFFFE080, s14  }
0x26: {  	s15 =	ssub.s32 @!p1 $0x408, s15;
	p2 =	sgt.s32 @!p1 s16, $0x7F;
	p3 =	sgt.s32 @!p1 s17, $0x7F  }
0x27: {  	s14 =	ssub.s32 @!p1 $0x2000, s14;
	p2 =	por !p2, p1;
	p3 =	por !p3, p1  }
0x28: {  	s16 =	sadd.s32 $0x80, s11;
	s15 =	simm.s32 @!p2 $0x0;
	s14 =	simm.s32 @!p3 $0x0  }
0x29: {  	p2 =	sgt.s32 s16, $0x400;
	s14 =	smul.u32 @!p1 s14, s15;
	s15 =	sadd.s32 $0x1000, s12  }
0x2a: {  	s18 =	smov.u32 @p2 s15  }
0x2b: {  	s16 =	simm.s32 @p2 $0x0;
	p2 =	sgt.s32 s18, $0x1FFF  }
0x2c: {  	s18 =	smov.u32 @p2 s2;
	p2 =	sne.s32 s13, s7  }
.Ltmp1:
0x2d: {  	p0 =	por !p0, !p0;
	s17 =	simm.s32 @!p1 $0x2;
	(pc) =	sbr.rel @!p2 .LBB1_6-.Ltmp1, $4  }
0x2e: {  	s15 =	smov.u32 s9;
	s9 =	smov.u32 s11;
	s14 =	sand.u32 @!p1 $0x3FFFFFFF, s14  }
0x2f: {  	s11 =	smov.u32 s16;
	_ =	swait.ge @!p1 [sflag:s17], s14;
	s19 =	ssub.s32 @!p1 $0x0, s14  }
0x30: {  	s14 =	smov.u32 s10;
	s13 =	sadd.s32 $0x1, s13;
	[sflag:s17] =	ssyncset.done @!p1 $0x0  }
0x31: {  	s10 =	smov.u32 s12;
	s12 =	smov.u32 s18;
	[sflag:s17] =	ssyncadd.s32 @!p1 s19  }
.LBB1_1:
0x32: {  	p1 =	sge.u32 s13, s5  }
0x33: {  	s16 =	sshrl.u32 @!p1 s12, $0x3  }
0x34: {  	s17 =	sshll.u32 @!p1 s11, $0x3;
	s16 =	smul.u32 @!p1 $0x2400, s16  }
0x35: {  	s18 =	sshll.u32 @!p1 s12, $0x7;
	s17 =	sand.u32 @!p1 $0xFFFFFC00, s17  }
0x36: {  	s16 =	sadd.s32 @!p1 s16, s17;
	s17 =	sand.u32 @!p1 $0x380, s18  }
0x37: {  	s18 =	sand.u32 @!p1 $0x7F, s11;
	s16 =	sor.u32 @!p1 s17, s16  }
0x38: {  	s17 =	sor.u32 @!p1 s18, s16  }
0x39: {  	s18 =	smulhi.u32 @!p1 $0x38E38E39, s17;
	_ =	sdelay $0x1  }
0x3a: {  	s16 =	smulhi.u32 @!p1 $0x38E38E39, s16;
	s18 =	sshrl.u32 @!p1 s18, $0x8  }
0x3b: {  	s18 =	smul.u32 @!p1 $0x480, s18  }
0x3c: {  	s31 =	sadd.s32 $0xFFFFFFFF, s13;
	s19 =	sxor.u32 @!p1 $0xFFFFFFFF, s13;
	s16 =	sshrl.u32 @!p1 s16, $0x8  }
0x3d: {  	s19 =	sshll.u32 @!p1 s19, $0xE;
	s16 =	sand.u32 @!p1 $0x1FFF, s16;
	s17 =	ssub.s32 @!p1 s17, s18  }
0x3e: {  	s16 =	smul.u32 @!p1 $0x90, s16;
	s18 =	sshrl.u32 @!p1 s17, $0x3;
	s17 =	sand.u32 @!p1 $0x7, s17  }
0x3f: {  	s19 =	sand.u32 @!p1 $0x4000, s19;
	s18 =	sadd.s32 @!p1 s6, s18;
	s17 =	sshll.u32 @!p1 s17, $0x12  }
0x40: {  	s16 =	sadd.s32 @!p1 s16, s18;
	s17 =	sor.u32 @!p1 $0x400, s17;
	s18 =	simm.s32 @!p1 $0x2400  }
0x41: {  	[tilespmem:s19], [sflag:$0x1] =	stream.strided.gather @!p1 [hbm4b:s16+s17], $0x4000, s18, s17, $0x38;
	[tilespmem:$0x10100] =	vst v63  }
0x42: {  	p1 =	sge.u32 s31, s5  }
.Ltmp2:
0x43: {  	_ = 	snop;
	(pc) =	sbr.rel @p1 .LBB1_5-.Ltmp2, $1  }
0x44: {  	_ =	sdelay $0x3  }
0x45: {  	s16 =	simm.s32 $0x1  }
0x46: {  	_ =	swait.ge [sflag:s4], $0x4000;
	s16 =	simm.s32 @!p0 $0x0  }
0x47: {  	[sflag:s4] =	ssyncset.done $0x0;
	s17 =	sshll.u32 s16, $0xE  }
0x48: {  	[sflag:s4] =	ssyncadd.s32 $0xFFFFC000;
	s17 =	sor.u32 $0x40, s17  }
0x49: {  	s16 =	smul.u32 $0x10200, s16;
	v0 =	vld [tilespmem:s17+$0x30]  }
0x4a: {  	v1 =	vld [tilespmem:s17+$0xFFFFFFD0]  }
0x4b: {  	s16 =	sshrl.u32 s16, $0x2;
	v5 =	vld [tilespmem:s17+$0xFFFFFFE0]  }
0x4c: {  	v6 =	vld [tilespmem:s17+$0xFFFFFFF0];
	s19 =	sor.u32 $0x8000, s16  }
0x4d: {  	s31 =	sand.u32 $0x1, s13;
	v4 =	vld [tilespmem:s17+$0x0];
	s18 =	sadd.s32 $0x0, s19  }
0x4e: {  	v3 =	vld [tilespmem:s17+$0x10];
	s16 =	smul.u32 $0x10200, s31;
	[tilespmem:s18+$0x3870 ss:$0x81] =	vst.msk $0xffff, v0  }
0x4f: {  	v2 =	vld [tilespmem:s17+$0x20];
	[tilespmem:s18+$0x810 ss:$0x81] =	vst.msk $0xffff, v1  }
0x50: {  	s16 =	sshrl.u32 s16, $0x2;
	v1 =	vld [tilespmem:s17+$0xFFFFFFC0];
	[tilespmem:s18+$0x1020 ss:$0x81] =	vst.msk $0xffff, v5;
	s17 =	sadd.s32 $0x80, s17  }
0x51: {  	s20 =	simm.s32 $0x4;
	s21 =	simm.s32 $0x8;
	s16 =	sor.u32 $0x8000, s16;
	[tilespmem:s18+$0x1830 ss:$0x81] =	vst.msk $0xffff, v6;
	v0 =	vld [tilespmem:s17+$0x30]  }
.LBB1_3:
0x52: {  	p1 =	sne.s32 s21, $0x1FC;
	v5 =	vld [tilespmem:s17+$0xFFFFFFD0];
	[tilespmem:s18+$0x2040 ss:$0x81] =	vst.msk $0xffff, v4  }
0x53: {  	v6 =	vld [tilespmem:s17+$0xFFFFFFE0];
	[tilespmem:s18+$0x2850 ss:$0x81] =	vst.msk $0xffff, v3  }
0x54: {  	s22 =	sshra.s32 s20, $0x2;
	s20 =	smov.u32 s21;
	v7 =	vld [tilespmem:s17+$0xFFFFFFF0];
	[tilespmem:s18+$0x3060 ss:$0x81] =	vst.msk $0xffff, v2  }
.Ltmp3:
0x55: {  	v4 =	vld [tilespmem:s17+$0x0];
	[tilespmem:s18+$0x0 ss:$0x81] =	vst.msk $0xffff, v1;
	s18 =	sadd.s32 s22, s19;
	(pc) =	sbr.rel @p1 .LBB1_3-.Ltmp3, $4  }
0x56: {  	v3 =	vld [tilespmem:s17+$0x10];
	[tilespmem:s18+$0x3870 ss:$0x81] =	vst.msk $0xffff, v0  }
0x57: {  	[tilespmem:s18+$0x810 ss:$0x81] =	vst.msk $0xffff, v5;
	v2 =	vld [tilespmem:s17+$0x20]  }
0x58: {  	v1 =	vld [tilespmem:s17+$0xFFFFFFC0];
	[tilespmem:s18+$0x1020 ss:$0x81] =	vst.msk $0xffff, v6;
	s17 =	sadd.s32 $0x80, s17  }
0x59: {  	s21 =	sadd.s32 $0x4, s21;
	v0 =	vld [tilespmem:s17+$0x30];
	[tilespmem:s18+$0x1830 ss:$0x81] =	vst.msk $0xffff, v7  }
.Ltmp4:
0x5a: {  	_ = 	snop;
	(pc) =	sbr.rel .LBB1_4-.Ltmp4, $1  }
0x5b: {  	_ =	sdelay $0x3  }
.LBB1_6:
0x5c: {  	_ =	sfence.sel $0x180000  }
0x5d: {  	s2 =	simm.s32 $0x1;
	[bflag:$0x0] =	sbarrier.arrive $0xFFFF  }
0x5e: {  	s31 =	simm.s32 $0x2;
	[sflag:s2] =	ssyncpa.u1 $0x1  }
0x5f: {  	[sflag:s31] =	ssyncpa.u1 $0x1  }
0x60: {  	p0 =	sne.s32 s0, $0x0;
	_ =	strace $0x90000047  }
0x61: {  	s0 =	sadd.s32 @!p0 $0x100000, s1;
	[bflag:$0x2] =	sbarrier.arrive $0xFFFF  }
0x62: {  	[sflag:s0] =	ssyncadd.tile.s32 @!p0 $0x1;
	_ =	shalt  }
.Lfunc_end1:
_tile_overlayer_lowered:
.L_overlay_start_2:
0x63: {  	(tag) =	ssettag $0x2  }
0x64: {  	s0 =	rddreg [dreg:$0x0];
	s2 =	stileid.u32  }
0x65: {  	s1 =	rddreg [dreg:$0x1];
	p0 =	sne.s32 s2, $0x0  }
0x66: {  	s3 =	rddreg [dreg:$0x2];
	[bflag:$0x3] =	sbarrier.arrive $0xFFFF;
	s2 =	simm.s32 @!p0 $0x1C01  }
0x67: {  	[timem:s3], [sflag:s2] =	dma.local @!p0 [hbm:s0], s1  }
0x68: {  	s0 =	simm.s32 @!p0 $0x1  }
0x69: {  	_ =	swait.ge @!p0 [sflag:s0], s1  }
0x6a: {  	s1 =	ssub.s32 @!p0 $0x0, s1;
	[sflag:s0] =	ssyncset.done @!p0 $0x0  }
0x6b: {  	[sflag:s0] =	ssyncadd.s32 @!p0 s1  }
0x6c: {  	[bflag:$0x3] =	sbarrier.arrive $0xFFFF  }
0x6d: {  	_ =	shalt  }

</sc_bundles>
